<compile_context>
chip_gen: v7x
topology: tpu7x:2x2x1
jax: 0.10.2.dev20260603
libtpu: 0.0.44.dev20260713+nightly
codegen_flags: <defaults>
</compile_context>

<pallas_src>
import functools

import jax
import jax.numpy as jnp
from jax import lax
from jax.experimental import pallas as pl
from jax.experimental.pallas import tpu as pltpu
from jax.experimental.pallas import tpu_sc as plsc

_NC = 2
_NS = 16
_NW = _NC * _NS
_L = 16
_UNROLL = 8


def _lane_gather(table_vec, idx):
    return lax.gather(
        table_vec,
        idx[:, None],
        lax.GatherDimensionNumbers(
            offset_dims=(), collapsed_slice_dims=(0,), start_index_map=(0,)
        ),
        (1,),
        mode=lax.GatherScatterMode.PROMISE_IN_BOUNDS,
    )


def _build_sc_lookup(n: int, t: int):
    chunk = ((n + _NW - 1) // _NW + 7) // 8 * 8
    last = n - (_NW - 1) * chunk
    assert 0 < last <= chunk
    nchunk = (chunk + _L - 1) // _L
    nchunk = (nchunk + _UNROLL - 1) // _UNROLL * _UNROLL
    buf = nchunk * _L
    mesh = plsc.VectorSubcoreMesh(core_axis_name="c", subcore_axis_name="s")

    @functools.partial(
        pl.kernel,
        mesh=mesh,
        out_type=jax.ShapeDtypeStruct((n,), jnp.float32),
        scratch_types=[
            pltpu.VMEM((buf,), jnp.int32),
            pltpu.VMEM((_L,), jnp.float32),
            pltpu.VMEM((buf,), jnp.float32),
            pltpu.SemaphoreType.DMA,
            pltpu.SemaphoreType.DMA,
        ],
    )
    def sc_lookup(idx_hbm, table_hbm, out_hbm, idx_v, table_v, out_v, sem0, sem1):
        wid = lax.axis_index("s") * _NC + lax.axis_index("c")
        base = wid * chunk
        cp_t = pltpu.async_copy(table_hbm, table_v.at[pl.ds(0, t)], sem0)

        is_last = wid == _NW - 1

        @pl.when(jnp.logical_not(is_last))
        def _():
            pltpu.async_copy(
                idx_hbm.at[pl.ds(base, chunk)], idx_v.at[pl.ds(0, chunk)], sem1
            ).wait()

        @pl.when(is_last)
        def _():
            pltpu.async_copy(
                idx_hbm.at[pl.ds(base, last)], idx_v.at[pl.ds(0, last)], sem1
            ).wait()

        cp_t.wait()
        tv = table_v[...]

        def body(i, carry):
            for u in range(_UNROLL):
                off = (i * _UNROLL + u) * _L
                out_v[pl.ds(off, _L)] = _lane_gather(tv, idx_v[pl.ds(off, _L)])
            return carry

        lax.fori_loop(0, nchunk // _UNROLL, body, 0)

        @pl.when(jnp.logical_not(is_last))
        def _():
            pltpu.sync_copy(
                out_v.at[pl.ds(0, chunk)], out_hbm.at[pl.ds(base, chunk)]
            )

        @pl.when(is_last)
        def _():
            pltpu.sync_copy(
                out_v.at[pl.ds(0, last)], out_hbm.at[pl.ds(base, last)]
            )

    return sc_lookup


def kernel(atom_types, scatter_norm_factor):
    n = atom_types.shape[0]
    t = scatter_norm_factor.shape[0]
    table = scatter_norm_factor.reshape(t)
    out = _build_sc_lookup(n, t)(atom_types, table)
    return out.reshape(n, 1)

# --- scband reference (transcript-rebuilt; emitter-appended) ---
"""Pipeline reference for scband-avg-num-neighbors-norm-50208167690804 (READ-ONLY COPY).

The authoritative reference and input builder live on the scoring server;
editing this copy changes nothing except your own understanding.
"""

import jax, jax.numpy as jnp
import numpy as np
from math import sqrt


def setup_inputs(seed: int = 0) -> dict:
    key = jax.random.key(seed)
    # atom types: one int per node, values in [0, num_types)
    atom_types = jax.random.randint(key, (100000,), 0, 4, dtype=jnp.int32)
    # buffer built in __init__: 1/sqrt(avg_num_neighbors[type]) per type, shape [T, 1]
    avg_num_neighbors = [10.0, 20.0, 15.0, 12.0]  # order of type_names [H, C, N, O]
    scatter_norm_factor = jnp.asarray(
        [[1.0 / sqrt(N)] for N in avg_num_neighbors], dtype=jnp.float32
    )
    return {"atom_types": atom_types, "scatter_norm_factor": scatter_norm_factor}


def reference(atom_types, scatter_norm_factor):
    # norm_shortcut is False (4 type names, dict avg_num_neighbors), so the
    # forward is an embedding lookup: F.embedding(atom_types, scatter_norm_factor)
    scatter_norm = jnp.take(scatter_norm_factor, atom_types, axis=0)  # [N, 1]
    return scatter_norm

if __name__ == "__main__":
    import jax
    _d = setup_inputs()
    print(jax.jit(kernel)(*tuple(_d.values())))

</pallas_src>

<mosaic_0001>
#map = affine_map<(d0, d1) -> (0)>
module attributes {stable_mosaic.version = 14 : i64} {
  func.func @sc_lookup(%arg0: i32, %arg1: i32, %arg2: memref<100000xi32, #tpu.memory_space<hbm>>, %arg3: memref<4xf32, #tpu.memory_space<hbm>>, %arg4: memref<100000xf32, #tpu.memory_space<hbm>>, %arg5: memref<3200xi32, #tpu.memory_space<vmem>>, %arg6: memref<16xf32, #tpu.memory_space<vmem>>, %arg7: memref<3200xf32, #tpu.memory_space<vmem>>, %arg8: memref<!tpu.dma_semaphore, #tpu.memory_space<semaphore_mem>>, %arg9: memref<!tpu.dma_semaphore, #tpu.memory_space<semaphore_mem>>) attributes {dimension_semantics = [#tpu.dimension_semantics<core_parallel>, #tpu.dimension_semantics<subcore_parallel>], iteration_bounds = array<i64: 2, 16>, scalar_prefetch = 0 : i64, scratch_operands = 5 : i64, tpu.core_type = #tpu.core_type<sc_vector_subcore>, window_params = [{transform_indices = #map}, {transform_indices = #map}, {transform_indices = #map}]} {
    %mul3A = arith.constant 2 : i32
    %mul3A_0 = arith.muli %arg1, %mul3A : i32
    %add3A = arith.addi %mul3A_0, %arg0 : i32
    %mul3A_1 = arith.constant 3128 : i32
    %mul3A_2 = arith.muli %add3A, %mul3A_1 : i32
    %dma_start3A = arith.constant 0 : i32
    %dma_start3A_3 = tpu.memref_slice %arg6[%dma_start3A] : memref<16xf32, #tpu.memory_space<vmem>> -> memref<4xf32, #tpu.memory_space<vmem>>
    %dma_start3A_4 = arith.constant 0 : i32
    %dma_start3A_5 = tpu.memref_slice %arg6[%dma_start3A_4] : memref<16xf32, #tpu.memory_space<vmem>> -> memref<4xf32, #tpu.memory_space<vmem>>
    tpu.enqueue_dma source(%arg3 : memref<4xf32, #tpu.memory_space<hbm>>) target(%dma_start3A_5 : memref<4xf32, #tpu.memory_space<vmem>>) target_semaphore(%arg8 : memref<!tpu.dma_semaphore, #tpu.memory_space<semaphore_mem>>)
    %eq3A = arith.constant 31 : i32
    %eq3A_6 = arith.cmpi eq, %add3A, %eq3A : i32
    %not3A = arith.constant true
    %not3A_7 = arith.xori %eq3A_6, %not3A : i1
    %convert_element_type3A = arith.extui %not3A_7 : i1 to i32
    %cond3A = arith.constant 0 : i32
    %cond3A_8 = arith.cmpi ne, %convert_element_type3A, %cond3A : i32
    scf.if %cond3A_8 {
      %dma_start3A_30 = arith.constant 0 : i32
      %dma_start3A_31 = tpu.memref_slice %arg5[%dma_start3A_30] : memref<3200xi32, #tpu.memory_space<vmem>> -> memref<3128xi32, #tpu.memory_space<vmem>>
      %dma_start3A_32 = tpu.memref_slice %arg2[%mul3A_2] : memref<100000xi32, #tpu.memory_space<hbm>> -> memref<3128xi32, #tpu.memory_space<hbm>>
      %dma_start3A_33 = arith.constant 0 : i32
      %dma_start3A_34 = tpu.memref_slice %arg5[%dma_start3A_33] : memref<3200xi32, #tpu.memory_space<vmem>> -> memref<3128xi32, #tpu.memory_space<vmem>>
      %dma_start3A_35 = tpu.memref_slice %arg2[%mul3A_2] : memref<100000xi32, #tpu.memory_space<hbm>> -> memref<3128xi32, #tpu.memory_space<hbm>>
      tpu.enqueue_dma source(%dma_start3A_35 : memref<3128xi32, #tpu.memory_space<hbm>>) target(%dma_start3A_34 : memref<3128xi32, #tpu.memory_space<vmem>>) target_semaphore(%arg9 : memref<!tpu.dma_semaphore, #tpu.memory_space<semaphore_mem>>)
      %dma_wait3A_36 = arith.constant 0 : i32
      %dma_wait3A_37 = tpu.memref_slice %arg5[%dma_wait3A_36] : memref<3200xi32, #tpu.memory_space<vmem>> -> memref<3128xi32, #tpu.memory_space<vmem>>
      %dma_wait3A_38 = tpu.memref_slice %arg2[%mul3A_2] : memref<100000xi32, #tpu.memory_space<hbm>> -> memref<3128xi32, #tpu.memory_space<hbm>>
      %dma_wait3A_39 = arith.constant 0 : i32
      %dma_wait3A_40 = tpu.memref_slice %arg5[%dma_wait3A_39] : memref<3200xi32, #tpu.memory_space<vmem>> -> memref<3128xi32, #tpu.memory_space<vmem>>
      %dma_wait3A_41 = tpu.memref_slice %arg2[%mul3A_2] : memref<100000xi32, #tpu.memory_space<hbm>> -> memref<3128xi32, #tpu.memory_space<hbm>>
      tpu.wait_dma2 semaphore(%arg9 : memref<!tpu.dma_semaphore, #tpu.memory_space<semaphore_mem>>) src(%dma_wait3A_41 : memref<3128xi32, #tpu.memory_space<hbm>>) dst(%dma_wait3A_40 : memref<3128xi32, #tpu.memory_space<vmem>>)
    } else {
    }
    %convert_element_type3A_9 = arith.extui %eq3A_6 : i1 to i32
    %cond3A_10 = arith.constant 0 : i32
    %cond3A_11 = arith.cmpi ne, %convert_element_type3A_9, %cond3A_10 : i32
    scf.if %cond3A_11 {
      %dma_start3A_30 = arith.constant 0 : i32
      %dma_start3A_31 = tpu.memref_slice %arg5[%dma_start3A_30] : memref<3200xi32, #tpu.memory_space<vmem>> -> memref<3032xi32, #tpu.memory_space<vmem>>
      %dma_start3A_32 = tpu.memref_slice %arg2[%mul3A_2] : memref<100000xi32, #tpu.memory_space<hbm>> -> memref<3032xi32, #tpu.memory_space<hbm>>
      %dma_start3A_33 = arith.constant 0 : i32
      %dma_start3A_34 = tpu.memref_slice %arg5[%dma_start3A_33] : memref<3200xi32, #tpu.memory_space<vmem>> -> memref<3032xi32, #tpu.memory_space<vmem>>
      %dma_start3A_35 = tpu.memref_slice %arg2[%mul3A_2] : memref<100000xi32, #tpu.memory_space<hbm>> -> memref<3032xi32, #tpu.memory_space<hbm>>
      tpu.enqueue_dma source(%dma_start3A_35 : memref<3032xi32, #tpu.memory_space<hbm>>) target(%dma_start3A_34 : memref<3032xi32, #tpu.memory_space<vmem>>) target_semaphore(%arg9 : memref<!tpu.dma_semaphore, #tpu.memory_space<semaphore_mem>>)
      %dma_wait3A_36 = arith.constant 0 : i32
      %dma_wait3A_37 = tpu.memref_slice %arg5[%dma_wait3A_36] : memref<3200xi32, #tpu.memory_space<vmem>> -> memref<3032xi32, #tpu.memory_space<vmem>>
      %dma_wait3A_38 = tpu.memref_slice %arg2[%mul3A_2] : memref<100000xi32, #tpu.memory_space<hbm>> -> memref<3032xi32, #tpu.memory_space<hbm>>
      %dma_wait3A_39 = arith.constant 0 : i32
      %dma_wait3A_40 = tpu.memref_slice %arg5[%dma_wait3A_39] : memref<3200xi32, #tpu.memory_space<vmem>> -> memref<3032xi32, #tpu.memory_space<vmem>>
      %dma_wait3A_41 = tpu.memref_slice %arg2[%mul3A_2] : memref<100000xi32, #tpu.memory_space<hbm>> -> memref<3032xi32, #tpu.memory_space<hbm>>
      tpu.wait_dma2 semaphore(%arg9 : memref<!tpu.dma_semaphore, #tpu.memory_space<semaphore_mem>>) src(%dma_wait3A_41 : memref<3032xi32, #tpu.memory_space<hbm>>) dst(%dma_wait3A_40 : memref<3032xi32, #tpu.memory_space<vmem>>)
    } else {
    }
    %dma_wait3A = arith.constant 0 : i32
    %dma_wait3A_12 = tpu.memref_slice %arg6[%dma_wait3A] : memref<16xf32, #tpu.memory_space<vmem>> -> memref<4xf32, #tpu.memory_space<vmem>>
    %dma_wait3A_13 = arith.constant 0 : i32
    %dma_wait3A_14 = tpu.memref_slice %arg6[%dma_wait3A_13] : memref<16xf32, #tpu.memory_space<vmem>> -> memref<4xf32, #tpu.memory_space<vmem>>
    tpu.wait_dma2 semaphore(%arg8 : memref<!tpu.dma_semaphore, #tpu.memory_space<semaphore_mem>>) src(%arg3 : memref<4xf32, #tpu.memory_space<hbm>>) dst(%dma_wait3A_14 : memref<4xf32, #tpu.memory_space<vmem>>)
    %get3A = arith.constant 0 : index
    %get3A_15 = tpu.vector_load %arg6[%get3A] {strides = array<i32>} : memref<16xf32, #tpu.memory_space<vmem>>, vector<16xf32>,
    %get3A_16 = vector.shape_cast %get3A_15 : vector<16xf32> to vector<16xf32>
    %scan3A = arith.constant 0 : i32
    %scan3A_17 = arith.constant 0 : i32
    %scan3A_18 = arith.constant 25 : i32
    %scan3A_19 = arith.addi %scan3A_17, %scan3A_18 : i32
    %scan3A_20 = arith.constant 1 : i32
    scf.for %scan3A_30 = %scan3A_17 to %scan3A_19 step %scan3A_20  : i32 {
      %mul3A_31 = arith.constant 8 : i32
      %mul3A_32 = arith.muli %scan3A_30, %mul3A_31 : i32
      %add3A_33 = arith.constant 0 : i32
      %add3A_34 = arith.addi %mul3A_32, %add3A_33 : i32
      %mul3A_35 = arith.constant 16 : i32
      %mul3A_36 = arith.muli %add3A_34, %mul3A_35 : i32
      %get3A_37 = arith.index_cast %mul3A_36 : i32 to index
      %get3A_38 = tpu.vector_load %arg5[%get3A_37] {strides = array<i32>} : memref<3200xi32, #tpu.memory_space<vmem>>, vector<16xi32>,
      %get3A_39 = vector.shape_cast %get3A_38 : vector<16xi32> to vector<16xi32>
      %broadcast_in_dim3A = vector.shape_cast %get3A_39 : vector<16xi32> to vector<16x1xi32>
      %gather3A = vector.shape_cast %broadcast_in_dim3A : vector<16x1xi32> to vector<16xi32>
      %gather3A_40 = tpu.dynamic_gather %get3A_16[%gather3A] in [0] : vector<16xf32>, vector<16xi32> -> vector<16xf32>
      %swap3A = arith.index_cast %mul3A_36 : i32 to index
      %swap3A_41 = tpu.vector_load %arg7[%swap3A] {strides = array<i32>} : memref<3200xf32, #tpu.memory_space<vmem>>, vector<16xf32>,
      %swap3A_42 = vector.shape_cast %swap3A_41 : vector<16xf32> to vector<16xf32>
      %swap3A_43 = vector.shape_cast %gather3A_40 : vector<16xf32> to vector<16xf32>
      tpu.vector_store %arg7[%swap3A], %swap3A_43 {strides = array<i32>} : memref<3200xf32, #tpu.memory_space<vmem>>, vector<16xf32>,
      %mul3A_44 = arith.constant 8 : i32
      %mul3A_45 = arith.muli %scan3A_30, %mul3A_44 : i32
      %add3A_46 = arith.constant 1 : i32
      %add3A_47 = arith.addi %mul3A_45, %add3A_46 : i32
      %mul3A_48 = arith.constant 16 : i32
      %mul3A_49 = arith.muli %add3A_47, %mul3A_48 : i32
      %get3A_50 = arith.index_cast %mul3A_49 : i32 to index
      %get3A_51 = tpu.vector_load %arg5[%get3A_50] {strides = array<i32>} : memref<3200xi32, #tpu.memory_space<vmem>>, vector<16xi32>,
      %get3A_52 = vector.shape_cast %get3A_51 : vector<16xi32> to vector<16xi32>
      %broadcast_in_dim3A_53 = vector.shape_cast %get3A_52 : vector<16xi32> to vector<16x1xi32>
      %gather3A_54 = vector.shape_cast %broadcast_in_dim3A_53 : vector<16x1xi32> to vector<16xi32>
      %gather3A_55 = tpu.dynamic_gather %get3A_16[%gather3A_54] in [0] : vector<16xf32>, vector<16xi32> -> vector<16xf32>
      %swap3A_56 = arith.index_cast %mul3A_49 : i32 to index
      %swap3A_57 = tpu.vector_load %arg7[%swap3A_56] {strides = array<i32>} : memref<3200xf32, #tpu.memory_space<vmem>>, vector<16xf32>,
      %swap3A_58 = vector.shape_cast %swap3A_57 : vector<16xf32> to vector<16xf32>
      %swap3A_59 = vector.shape_cast %gather3A_55 : vector<16xf32> to vector<16xf32>
      tpu.vector_store %arg7[%swap3A_56], %swap3A_59 {strides = array<i32>} : memref<3200xf32, #tpu.memory_space<vmem>>, vector<16xf32>,
      %mul3A_60 = arith.constant 8 : i32
      %mul3A_61 = arith.muli %scan3A_30, %mul3A_60 : i32
      %add3A_62 = arith.constant 2 : i32
      %add3A_63 = arith.addi %mul3A_61, %add3A_62 : i32
      %mul3A_64 = arith.constant 16 : i32
      %mul3A_65 = arith.muli %add3A_63, %mul3A_64 : i32
      %get3A_66 = arith.index_cast %mul3A_65 : i32 to index
      %get3A_67 = tpu.vector_load %arg5[%get3A_66] {strides = array<i32>} : memref<3200xi32, #tpu.memory_space<vmem>>, vector<16xi32>,
      %get3A_68 = vector.shape_cast %get3A_67 : vector<16xi32> to vector<16xi32>
      %broadcast_in_dim3A_69 = vector.shape_cast %get3A_68 : vector<16xi32> to vector<16x1xi32>
      %gather3A_70 = vector.shape_cast %broadcast_in_dim3A_69 : vector<16x1xi32> to vector<16xi32>
      %gather3A_71 = tpu.dynamic_gather %get3A_16[%gather3A_70] in [0] : vector<16xf32>, vector<16xi32> -> vector<16xf32>
      %swap3A_72 = arith.index_cast %mul3A_65 : i32 to index
      %swap3A_73 = tpu.vector_load %arg7[%swap3A_72] {strides = array<i32>} : memref<3200xf32, #tpu.memory_space<vmem>>, vector<16xf32>,
      %swap3A_74 = vector.shape_cast %swap3A_73 : vector<16xf32> to vector<16xf32>
      %swap3A_75 = vector.shape_cast %gather3A_71 : vector<16xf32> to vector<16xf32>
      tpu.vector_store %arg7[%swap3A_72], %swap3A_75 {strides = array<i32>} : memref<3200xf32, #tpu.memory_space<vmem>>, vector<16xf32>,
      %mul3A_76 = arith.constant 8 : i32
      %mul3A_77 = arith.muli %scan3A_30, %mul3A_76 : i32
      %add3A_78 = arith.constant 3 : i32
      %add3A_79 = arith.addi %mul3A_77, %add3A_78 : i32
      %mul3A_80 = arith.constant 16 : i32
      %mul3A_81 = arith.muli %add3A_79, %mul3A_80 : i32
      %get3A_82 = arith.index_cast %mul3A_81 : i32 to index
      %get3A_83 = tpu.vector_load %arg5[%get3A_82] {strides = array<i32>} : memref<3200xi32, #tpu.memory_space<vmem>>, vector<16xi32>,
      %get3A_84 = vector.shape_cast %get3A_83 : vector<16xi32> to vector<16xi32>
      %broadcast_in_dim3A_85 = vector.shape_cast %get3A_84 : vector<16xi32> to vector<16x1xi32>
      %gather3A_86 = vector.shape_cast %broadcast_in_dim3A_85 : vector<16x1xi32> to vector<16xi32>
      %gather3A_87 = tpu.dynamic_gather %get3A_16[%gather3A_86] in [0] : vector<16xf32>, vector<16xi32> -> vector<16xf32>
      %swap3A_88 = arith.index_cast %mul3A_81 : i32 to index
      %swap3A_89 = tpu.vector_load %arg7[%swap3A_88] {strides = array<i32>} : memref<3200xf32, #tpu.memory_space<vmem>>, vector<16xf32>,
      %swap3A_90 = vector.shape_cast %swap3A_89 : vector<16xf32> to vector<16xf32>
      %swap3A_91 = vector.shape_cast %gather3A_87 : vector<16xf32> to vector<16xf32>
      tpu.vector_store %arg7[%swap3A_88], %swap3A_91 {strides = array<i32>} : memref<3200xf32, #tpu.memory_space<vmem>>, vector<16xf32>,
      %mul3A_92 = arith.constant 8 : i32
      %mul3A_93 = arith.muli %scan3A_30, %mul3A_92 : i32
      %add3A_94 = arith.constant 4 : i32
      %add3A_95 = arith.addi %mul3A_93, %add3A_94 : i32
      %mul3A_96 = arith.constant 16 : i32
      %mul3A_97 = arith.muli %add3A_95, %mul3A_96 : i32
      %get3A_98 = arith.index_cast %mul3A_97 : i32 to index
      %get3A_99 = tpu.vector_load %arg5[%get3A_98] {strides = array<i32>} : memref<3200xi32, #tpu.memory_space<vmem>>, vector<16xi32>,
      %get3A_100 = vector.shape_cast %get3A_99 : vector<16xi32> to vector<16xi32>
      %broadcast_in_dim3A_101 = vector.shape_cast %get3A_100 : vector<16xi32> to vector<16x1xi32>
      %gather3A_102 = vector.shape_cast %broadcast_in_dim3A_101 : vector<16x1xi32> to vector<16xi32>
      %gather3A_103 = tpu.dynamic_gather %get3A_16[%gather3A_102] in [0] : vector<16xf32>, vector<16xi32> -> vector<16xf32>
      %swap3A_104 = arith.index_cast %mul3A_97 : i32 to index
      %swap3A_105 = tpu.vector_load %arg7[%swap3A_104] {strides = array<i32>} : memref<3200xf32, #tpu.memory_space<vmem>>, vector<16xf32>,
      %swap3A_106 = vector.shape_cast %swap3A_105 : vector<16xf32> to vector<16xf32>
      %swap3A_107 = vector.shape_cast %gather3A_103 : vector<16xf32> to vector<16xf32>
      tpu.vector_store %arg7[%swap3A_104], %swap3A_107 {strides = array<i32>} : memref<3200xf32, #tpu.memory_space<vmem>>, vector<16xf32>,
      %mul3A_108 = arith.constant 8 : i32
      %mul3A_109 = arith.muli %scan3A_30, %mul3A_108 : i32
      %add3A_110 = arith.constant 5 : i32
      %add3A_111 = arith.addi %mul3A_109, %add3A_110 : i32
      %mul3A_112 = arith.constant 16 : i32
      %mul3A_113 = arith.muli %add3A_111, %mul3A_112 : i32
      %get3A_114 = arith.index_cast %mul3A_113 : i32 to index
      %get3A_115 = tpu.vector_load %arg5[%get3A_114] {strides = array<i32>} : memref<3200xi32, #tpu.memory_space<vmem>>, vector<16xi32>,
      %get3A_116 = vector.shape_cast %get3A_115 : vector<16xi32> to vector<16xi32>
      %broadcast_in_dim3A_117 = vector.shape_cast %get3A_116 : vector<16xi32> to vector<16x1xi32>
      %gather3A_118 = vector.shape_cast %broadcast_in_dim3A_117 : vector<16x1xi32> to vector<16xi32>
      %gather3A_119 = tpu.dynamic_gather %get3A_16[%gather3A_118] in [0] : vector<16xf32>, vector<16xi32> -> vector<16xf32>
      %swap3A_120 = arith.index_cast %mul3A_113 : i32 to index
      %swap3A_121 = tpu.vector_load %arg7[%swap3A_120] {strides = array<i32>} : memref<3200xf32, #tpu.memory_space<vmem>>, vector<16xf32>,
      %swap3A_122 = vector.shape_cast %swap3A_121 : vector<16xf32> to vector<16xf32>
      %swap3A_123 = vector.shape_cast %gather3A_119 : vector<16xf32> to vector<16xf32>
      tpu.vector_store %arg7[%swap3A_120], %swap3A_123 {strides = array<i32>} : memref<3200xf32, #tpu.memory_space<vmem>>, vector<16xf32>,
      %mul3A_124 = arith.constant 8 : i32
      %mul3A_125 = arith.muli %scan3A_30, %mul3A_124 : i32
      %add3A_126 = arith.constant 6 : i32
      %add3A_127 = arith.addi %mul3A_125, %add3A_126 : i32
      %mul3A_128 = arith.constant 16 : i32
      %mul3A_129 = arith.muli %add3A_127, %mul3A_128 : i32
      %get3A_130 = arith.index_cast %mul3A_129 : i32 to index
      %get3A_131 = tpu.vector_load %arg5[%get3A_130] {strides = array<i32>} : memref<3200xi32, #tpu.memory_space<vmem>>, vector<16xi32>,
      %get3A_132 = vector.shape_cast %get3A_131 : vector<16xi32> to vector<16xi32>
      %broadcast_in_dim3A_133 = vector.shape_cast %get3A_132 : vector<16xi32> to vector<16x1xi32>
      %gather3A_134 = vector.shape_cast %broadcast_in_dim3A_133 : vector<16x1xi32> to vector<16xi32>
      %gather3A_135 = tpu.dynamic_gather %get3A_16[%gather3A_134] in [0] : vector<16xf32>, vector<16xi32> -> vector<16xf32>
      %swap3A_136 = arith.index_cast %mul3A_129 : i32 to index
      %swap3A_137 = tpu.vector_load %arg7[%swap3A_136] {strides = array<i32>} : memref<3200xf32, #tpu.memory_space<vmem>>, vector<16xf32>,
      %swap3A_138 = vector.shape_cast %swap3A_137 : vector<16xf32> to vector<16xf32>
      %swap3A_139 = vector.shape_cast %gather3A_135 : vector<16xf32> to vector<16xf32>
      tpu.vector_store %arg7[%swap3A_136], %swap3A_139 {strides = array<i32>} : memref<3200xf32, #tpu.memory_space<vmem>>, vector<16xf32>,
      %mul3A_140 = arith.constant 8 : i32
      %mul3A_141 = arith.muli %scan3A_30, %mul3A_140 : i32
      %add3A_142 = arith.constant 7 : i32
      %add3A_143 = arith.addi %mul3A_141, %add3A_142 : i32
      %mul3A_144 = arith.constant 16 : i32
      %mul3A_145 = arith.muli %add3A_143, %mul3A_144 : i32
      %get3A_146 = arith.index_cast %mul3A_145 : i32 to index
      %get3A_147 = tpu.vector_load %arg5[%get3A_146] {strides = array<i32>} : memref<3200xi32, #tpu.memory_space<vmem>>, vector<16xi32>,
      %get3A_148 = vector.shape_cast %get3A_147 : vector<16xi32> to vector<16xi32>
      %broadcast_in_dim3A_149 = vector.shape_cast %get3A_148 : vector<16xi32> to vector<16x1xi32>
      %gather3A_150 = vector.shape_cast %broadcast_in_dim3A_149 : vector<16x1xi32> to vector<16xi32>
      %gather3A_151 = tpu.dynamic_gather %get3A_16[%gather3A_150] in [0] : vector<16xf32>, vector<16xi32> -> vector<16xf32>
      %swap3A_152 = arith.index_cast %mul3A_145 : i32 to index
      %swap3A_153 = tpu.vector_load %arg7[%swap3A_152] {strides = array<i32>} : memref<3200xf32, #tpu.memory_space<vmem>>, vector<16xf32>,
      %swap3A_154 = vector.shape_cast %swap3A_153 : vector<16xf32> to vector<16xf32>
      %swap3A_155 = vector.shape_cast %gather3A_151 : vector<16xf32> to vector<16xf32>
      tpu.vector_store %arg7[%swap3A_152], %swap3A_155 {strides = array<i32>} : memref<3200xf32, #tpu.memory_space<vmem>>, vector<16xf32>,
    }
    %scan3A_21 = arith.constant 25 : i32
    %not3A_22 = arith.constant true
    %not3A_23 = arith.xori %eq3A_6, %not3A_22 : i1
    %convert_element_type3A_24 = arith.extui %not3A_23 : i1 to i32
    %cond3A_25 = arith.constant 0 : i32
    %cond3A_26 = arith.cmpi ne, %convert_element_type3A_24, %cond3A_25 : i32
    scf.if %cond3A_26 {
      "tpu.region"() ({
        %run_scoped3A = tpu.sem_alloc : memref<!tpu.dma_semaphore, #tpu.memory_space<semaphore_mem>>
        %dma_start3A_30 = arith.constant 0 : i32
        %dma_start3A_31 = tpu.memref_slice %arg7[%dma_start3A_30] : memref<3200xf32, #tpu.memory_space<vmem>> -> memref<3128xf32, #tpu.memory_space<vmem>>
        %dma_start3A_32 = tpu.memref_slice %arg4[%mul3A_2] : memref<100000xf32, #tpu.memory_space<hbm>> -> memref<3128xf32, #tpu.memory_space<hbm>>
        %dma_start3A_33 = tpu.memref_slice %arg4[%mul3A_2] : memref<100000xf32, #tpu.memory_space<hbm>> -> memref<3128xf32, #tpu.memory_space<hbm>>
        %dma_start3A_34 = arith.constant 0 : i32
        %dma_start3A_35 = tpu.memref_slice %arg7[%dma_start3A_34] : memref<3200xf32, #tpu.memory_space<vmem>> -> memref<3128xf32, #tpu.memory_space<vmem>>
        tpu.enqueue_dma source(%dma_start3A_35 : memref<3128xf32, #tpu.memory_space<vmem>>) target(%dma_start3A_33 : memref<3128xf32, #tpu.memory_space<hbm>>) target_semaphore(%run_scoped3A : memref<!tpu.dma_semaphore, #tpu.memory_space<semaphore_mem>>)
        %dma_wait3A_36 = arith.constant 0 : i32
        %dma_wait3A_37 = tpu.memref_slice %arg7[%dma_wait3A_36] : memref<3200xf32, #tpu.memory_space<vmem>> -> memref<3128xf32, #tpu.memory_space<vmem>>
        %dma_wait3A_38 = tpu.memref_slice %arg4[%mul3A_2] : memref<100000xf32, #tpu.memory_space<hbm>> -> memref<3128xf32, #tpu.memory_space<hbm>>
        %dma_wait3A_39 = tpu.memref_slice %arg4[%mul3A_2] : memref<100000xf32, #tpu.memory_space<hbm>> -> memref<3128xf32, #tpu.memory_space<hbm>>
        %dma_wait3A_40 = arith.constant 0 : i32
        %dma_wait3A_41 = tpu.memref_slice %arg7[%dma_wait3A_40] : memref<3200xf32, #tpu.memory_space<vmem>> -> memref<3128xf32, #tpu.memory_space<vmem>>
        tpu.wait_dma2 semaphore(%run_scoped3A : memref<!tpu.dma_semaphore, #tpu.memory_space<semaphore_mem>>) src(%dma_wait3A_41 : memref<3128xf32, #tpu.memory_space<vmem>>) dst(%dma_wait3A_39 : memref<3128xf32, #tpu.memory_space<hbm>>)
        tpu.yield
      }) : () -> ()
    } else {
    }
    %convert_element_type3A_27 = arith.extui %eq3A_6 : i1 to i32
    %cond3A_28 = arith.constant 0 : i32
    %cond3A_29 = arith.cmpi ne, %convert_element_type3A_27, %cond3A_28 : i32
    scf.if %cond3A_29 {
      "tpu.region"() ({
        %run_scoped3A = tpu.sem_alloc : memref<!tpu.dma_semaphore, #tpu.memory_space<semaphore_mem>>
        %dma_start3A_30 = arith.constant 0 : i32
        %dma_start3A_31 = tpu.memref_slice %arg7[%dma_start3A_30] : memref<3200xf32, #tpu.memory_space<vmem>> -> memref<3032xf32, #tpu.memory_space<vmem>>
        %dma_start3A_32 = tpu.memref_slice %arg4[%mul3A_2] : memref<100000xf32, #tpu.memory_space<hbm>> -> memref<3032xf32, #tpu.memory_space<hbm>>
        %dma_start3A_33 = tpu.memref_slice %arg4[%mul3A_2] : memref<100000xf32, #tpu.memory_space<hbm>> -> memref<3032xf32, #tpu.memory_space<hbm>>
        %dma_start3A_34 = arith.constant 0 : i32
        %dma_start3A_35 = tpu.memref_slice %arg7[%dma_start3A_34] : memref<3200xf32, #tpu.memory_space<vmem>> -> memref<3032xf32, #tpu.memory_space<vmem>>
        tpu.enqueue_dma source(%dma_start3A_35 : memref<3032xf32, #tpu.memory_space<vmem>>) target(%dma_start3A_33 : memref<3032xf32, #tpu.memory_space<hbm>>) target_semaphore(%run_scoped3A : memref<!tpu.dma_semaphore, #tpu.memory_space<semaphore_mem>>)
        %dma_wait3A_36 = arith.constant 0 : i32
        %dma_wait3A_37 = tpu.memref_slice %arg7[%dma_wait3A_36] : memref<3200xf32, #tpu.memory_space<vmem>> -> memref<3032xf32, #tpu.memory_space<vmem>>
        %dma_wait3A_38 = tpu.memref_slice %arg4[%mul3A_2] : memref<100000xf32, #tpu.memory_space<hbm>> -> memref<3032xf32, #tpu.memory_space<hbm>>
        %dma_wait3A_39 = tpu.memref_slice %arg4[%mul3A_2] : memref<100000xf32, #tpu.memory_space<hbm>> -> memref<3032xf32, #tpu.memory_space<hbm>>
        %dma_wait3A_40 = arith.constant 0 : i32
        %dma_wait3A_41 = tpu.memref_slice %arg7[%dma_wait3A_40] : memref<3200xf32, #tpu.memory_space<vmem>> -> memref<3032xf32, #tpu.memory_space<vmem>>
        tpu.wait_dma2 semaphore(%run_scoped3A : memref<!tpu.dma_semaphore, #tpu.memory_space<semaphore_mem>>) src(%dma_wait3A_41 : memref<3032xf32, #tpu.memory_space<vmem>>) dst(%dma_wait3A_39 : memref<3032xf32, #tpu.memory_space<hbm>>)
        tpu.yield
      }) : () -> ()
    } else {
    }
    return
  }
}

</mosaic_0001>

<sc_bundles>
// kernel: kernel.3.cloned.1.call-start
scs
__scs_entry_jumppad:
0x0: {  	(pc) =	sbr.rel $0x88, $3  }
0x1: {  	(tag) =	ssettag $0x0;
	lr =	simm.s32 $0x1  }
0x2: {  	[smem:$0x3F9F] =	sst lr;
	_ =	strace $0xD0000000  }
0x3: {  	_ = 	snop  }
0x4: {  	_ = 	snop  }
0x5: {  	_ = 	snop  }
0x6: {  	_ = 	snop  }
0x7: {  	_ = 	snop  }
__scs_overlays_trampoline_lowered:
0x8: {  	[smem:$0x3FAE] =	sst s0  }
0x9: {  	[smem:$0x3FAF] =	sst s1  }
0xa: {  	[smem:$0x3FB0] =	sst s2  }
0xb: {  	[smem:$0x3FB1] =	sst s3  }
0xc: {  	[smem:$0x3FB2] =	sst s4  }
0xd: {  	[smem:$0x3FB3] =	sst s5  }
0xe: {  	[smem:$0x3FB4] =	sst s6  }
0xf: {  	[smem:$0x3FB5] =	sst s7  }
0x10: {  	[smem:$0x3FB6] =	sst s8  }
0x11: {  	[smem:$0x3FB7] =	sst s9;
	s0 =	simm.s32 @!p0 $0x0  }
0x12: {  	s1 =	sld [smem:$0x3F9D];
	s0 =	simm.s32 @p0 $0x1  }
0x13: {  	[smem:$0x3FB8] =	sst s0;
	s0 =	simm.s32 @!p1 $0x0  }
0x14: {  	s2 =	sld [smem:$0x3F9C];
	s0 =	simm.s32 @p1 $0x1  }
0x15: {  	[smem:$0x3FB9] =	sst s0;
	s0 =	simm.s32 @!p2 $0x0  }
0x16: {  	s3 =	sld [smem:$0x3FDB];
	s0 =	simm.s32 @p2 $0x1  }
0x17: {  	s4 =	simm.s32 $0x1BF5;
	[smem:$0x3FBB] =	sst s0  }
0x18: {  	s0 =	sld [smem:$0x3F9E];
	_ =	swait.ge [sflag:s4], $0x0  }
0x19: {  	s7 =	sld [smem:$0x3F9F]  }
0x1a: {  	s8 =	sadd.s32 $0xFFFFE003, lr  }
0x1b: {  	s9 =	sadd.s32 $0xFFFFFEF7, lr;
	s5 =	simm.s32 $0xFFFFFFFF;
	p2 =	slt.u32 s8, $0xFFFFF086  }
0x1c: {  	p1 =	slt.u32 s9, $0xF7A;
	s5 =	simm.s32 @!p2 $0x0  }
0x1d: {  	s5 =	simm.s32 @p1 $0x1;
	p0 =	seq.s32 s7, s2  }
0x1e: {  	s7 =	smul.u32 @!p0 $0xF7A, s2;
	p2 =	seq.s32 @!p0 s5, $0x0  }
0x1f: {  	s9 =	smul.u32 $0xF7A, s1;
	s8 =	simm.s32 @!p0 $0x1BF5;
	p2 =	por !p2, p0  }
0x20: {  	[sflag:s8] =	ssyncset.s32 @!p0 $0xFFFFF086;
	s6 =	sadd.s32 @!p0 s3, s7;
	s7 =	simm.s32 @!p0 $0x108  }
0x21: {  	s3 =	sadd.s32 s3, s9;
	s6 =	sadd.s32 @!p0 $0x88, s6;
	s7 =	simm.s32 @p2 $0x1082  }
0x22: {  	[simem:s7], [sflag:s8] =	dma.local @!p0 [hbm:s6], $0xF7A  }
0x23: {  	s9 =	sor.u32 $0xD0000000, s2;
	s6 =	simm.s32 $0x108;
	_ =	swait.ge @!p0 [sflag:s8], $0x0  }
0x24: {  	s3 =	sadd.s32 $0x88, s3;
	s6 =	simm.s32 @!p1 $0x1082;
	[sflag:s4] =	ssyncset.s32 $0xFFFFF086  }
0x25: {  	[simem:s6], [sflag:s4] =	dma.local [hbm:s3], $0xF7A  }
0x26: {  	[smem:$0x3F9F] =	sst s1;
	(tag) =	ssettag s2;
	_ =	strace s9  }
0x27: {  	s1 =	sld [smem:$0x3FAF]  }
0x28: {  	s2 =	sld [smem:$0x3FB0]  }
0x29: {  	s4 =	sld [smem:$0x3FB2]  }
0x2a: {  	p0 =	seq.s32 s5, $0x0;
	s5 =	sld [smem:$0x3FB3]  }
0x2b: {  	s6 =	sld [smem:$0x3FB4]  }
0x2c: {  	s7 =	sld [smem:$0x3FB5]  }
0x2d: {  	s3 =	simm.s32 $0x108;
	s8 =	sld [smem:$0x3FB6]  }
0x2e: {  	s3 =	simm.s32 @!p0 $0x1082;
	s9 =	sld [smem:$0x3FB7]  }
0x2f: {  	lr =	sadd.s32 s0, s3;
	s0 =	sld [smem:$0x3FAE]  }
0x30: {  	s3 =	sld [smem:$0x3FB1]  }
0x31: {  	[smem:$0x3FBA] =	sst s10  }
0x32: {  	s10 =	sld [smem:$0x3FB8];
	_ =	sdelay $0x3  }
0x33: {  	p0 =	seq.s32 s10, $0x1;
	s10 =	sld [smem:$0x3FBA];
	_ =	sdelay $0x3  }
0x34: {  	[smem:$0x3FBA] =	sst s10  }
0x35: {  	s10 =	sld [smem:$0x3FB9];
	_ =	sdelay $0x3  }
0x36: {  	p1 =	seq.s32 s10, $0x1;
	s10 =	sld [smem:$0x3FBA];
	_ =	sdelay $0x3  }
0x37: {  	[smem:$0x3FBA] =	sst s10  }
0x38: {  	s10 =	sld [smem:$0x3FBB]  }
0x39: {  	_ = 	snop;
	(pc) =	sbr.ind lr, $3  }
0x3a: {  	_ = 	snop  }
0x3b: {  	_ = 	snop  }
0x3c: {  	p2 =	seq.s32 s10, $0x1;
	s10 =	sld [smem:$0x3FBA]  }
0x3d: {  	_ =	shalt  }
0x3e: {  	_ =	shalt  }
0x3f: {  	_ =	shalt  }
0x40: {  	_ =	shalt  }
0x41: {  	_ =	shalt  }
0x42: {  	_ =	shalt  }
0x43: {  	_ =	shalt  }
0x44: {  	_ =	shalt  }
0x45: {  	_ =	shalt  }
0x46: {  	_ =	shalt  }
0x47: {  	_ =	shalt  }
0x48: {  	_ =	shalt  }
0x49: {  	_ =	shalt  }
0x4a: {  	_ =	shalt  }
0x4b: {  	_ =	shalt  }
0x4c: {  	_ =	shalt  }
0x4d: {  	_ =	shalt  }
0x4e: {  	_ =	shalt  }
0x4f: {  	_ =	shalt  }
0x50: {  	_ =	shalt  }
0x51: {  	_ =	shalt  }
0x52: {  	_ =	shalt  }
0x53: {  	_ =	shalt  }
0x54: {  	_ =	shalt  }
0x55: {  	_ =	shalt  }
0x56: {  	_ =	shalt  }
0x57: {  	_ =	shalt  }
0x58: {  	_ =	shalt  }
0x59: {  	_ =	shalt  }
0x5a: {  	_ =	shalt  }
0x5b: {  	_ =	shalt  }
0x5c: {  	_ =	shalt  }
0x5d: {  	_ =	shalt  }
0x5e: {  	_ =	shalt  }
0x5f: {  	_ =	shalt  }
0x60: {  	_ =	shalt  }
0x61: {  	_ =	shalt  }
0x62: {  	_ =	shalt  }
0x63: {  	_ =	shalt  }
0x64: {  	_ =	shalt  }
0x65: {  	_ =	shalt  }
0x66: {  	_ =	shalt  }
0x67: {  	_ =	shalt  }
0x68: {  	_ =	shalt  }
0x69: {  	_ =	shalt  }
0x6a: {  	_ =	shalt  }
0x6b: {  	_ =	shalt  }
0x6c: {  	_ =	shalt  }
0x6d: {  	_ =	shalt  }
0x6e: {  	_ =	shalt  }
0x6f: {  	_ =	shalt  }
0x70: {  	_ =	shalt  }
0x71: {  	_ =	shalt  }
0x72: {  	_ =	shalt  }
0x73: {  	_ =	shalt  }
0x74: {  	_ =	shalt  }
0x75: {  	_ =	shalt  }
0x76: {  	_ =	shalt  }
0x77: {  	_ =	shalt  }
0x78: {  	_ =	shalt  }
0x79: {  	_ =	shalt  }
0x7a: {  	_ =	shalt  }
0x7b: {  	_ =	shalt  }
0x7c: {  	_ =	shalt  }
0x7d: {  	_ =	shalt  }
0x7e: {  	_ =	shalt  }
0x7f: {  	_ =	shalt  }
0x80: {  	_ =	shalt  }
0x81: {  	_ =	shalt  }
0x82: {  	_ =	shalt  }
0x83: {  	_ =	shalt  }
0x84: {  	_ =	shalt  }
0x85: {  	_ =	shalt  }
0x86: {  	_ =	shalt  }
0x87: {  	_ =	shalt  }
.Lfunc_end0:
.L_simem_size_0:
called_computation_lowered:
.L_overlay_start_0:
0x88: {  	s2 =	sld [smem:$0x3FD9]  }
0x89: {  	s3 =	sld [smem:$0x3FFE];
	_ =	sdelay $0x1  }
0x8a: {  	s1 =	srdreg.scid  }
0x8b: {  	s0 =	sand.u32 $0x1, s1  }
0x8c: {  	s17 =	sshll.u32 s0, $0xA;
	s2 =	sadd.s32 s3, s2  }
0x8d: {  	s2 =	sadd.s32 s2, s17  }
0x8e: {  	[smem:$0x3FC6] =	sst s2  }
0x8f: {  	_ = 	snop  }
0x90: {  	s2 =	sld [smem:$0x3FC9]  }
0x91: {  	s18 =	sld [smem:$0x3FC8];
	(tm) =	ssettm $0x1  }
0x92: {  	s4 =	sld [smem:$0x3FFB];
	_ =	sdelay $0x3  }
0x93: {  	_ =	strace s4  }
0x94: {  	s4 =	sld [smem:$0x3FFC];
	_ =	sdelay $0x3  }
0x95: {  	_ =	strace s4  }
0x96: {  	s4 =	sld [smem:$0x3FFD];
	_ =	sdelay $0x3  }
0x97: {  	_ =	strace s4  }
0x98: {  	_ =	strace $0x8FFFFFFF  }
0x99: {  	s19 =	sld [smem:$0x3FDB];
	_ =	sdelay $0x1  }
0x9a: {  	s5 =	simm.s32 $_scs_section_size  }
0x9b: {  	s6 =	simm.s32 $_size__tile_overlayer_lowered;
	s7 =	simm.s32 $_tile_overlayer_lowered  }
0x9c: {  	s22 =	simm.s32 $0x1BFF;
	s21 =	sshll.u32 s7, $0x1;
	s4 =	sadd.s32 s5, s19  }
0x9d: {  	s8 =	simm.s32 $0x0;
	s20 =	sshll.u32 s6, $0x1;
	s6 =	sadd.s32 s21, s4  }
0x9e: {  	[timem:s8], [sflag:s22] =	dma.local [hbm:s6], s20  }
0x9f: {  	_ =	swait.ge [sflag:s22], s20  }
0xa0: {  	s5 =	ssub.s32 $0x0, s20;
	[sflag:s22] =	ssyncset.done $0x0  }
0xa1: {  	[sflag:s22] =	ssyncadd.s32 s5;
	_ =	sdelay $0x1  }
0xa2: {  	s23 =	simm.s32 $0x1B8B  }
0xa3: {  	_ =	swait.ge [sflag:s23], $0x1  }
0xa4: {  	[sflag:s23] =	ssyncset.done $0x0  }
0xa5: {  	s25 =	simm.s32 $0x1B8E;
	s24 =	sld [smem:$0x3FFE];
	[sflag:s23] =	ssyncadd.s32 $0xFFFFFFFF  }
0xa6: {  	s26 =	simm.s32 $execute0_lowered;
	[smem:$0x3FD2] =	sst s25  }
0xa7: {  	s6 =	sshll.u32 s26, $0x1;
	_ =	strace $0x80000046;
	[dreg:$0x1] =	wrdreg $0xFFFFFFFF  }
0xa8: {  	s28 =	simm.s32 $_size_execute0_lowered;
	s4 =	sadd.s32 s4, s6;
	[dreg:$0x0] =	wrdreg $0x0  }
0xa9: {  	s6 =	sshll.u32 s28, $0x1;
	[dreg:$0x2] =	wrdreg s4  }
0xaa: {  	[dreg:$0x3] =	wrdreg s6  }
0xab: {  	[dreg:$0x4] =	wrdreg $0xC0  }
0xac: {  	_ =	task [dreg:s8], $0x5FFFF  }
0xad: {  	[dreg:$0x1] =	wrdreg $0xFFFFFFFF  }
0xae: {  	[dreg:$0x0] =	wrdreg $0x60  }
0xaf: {  	[dreg:$0x2] =	wrdreg s2  }
0xb0: {  	[dreg:$0x3] =	wrdreg s18  }
0xb1: {  	[dreg:$0x4] =	wrdreg s24  }
0xb2: {  	[dreg:$0x5] =	wrdreg $0x9  }
0xb3: {  	_ =	task.clear_ibuf [dreg:s8], $0x6FFFF;
	_ =	strace $0x90000046  }
0xb4: {  	s29 =	simm.s32 $0x9;
	_ =	strace $0x80000048  }
0xb5: {  	_ =	swait.ge [sflag:s29], $0x1  }
0xb6: {  	[sflag:s29] =	ssyncadd.s32 $0xFFFFFFFF  }
0xb7: {  	_ =	strace $0x90000048  }
0xb8: {  	_ =	sfence  }
0xb9: {  	s30 =	sld [smem:$0x0];
	_ =	sdelay $0x2  }
0xba: {  	s31 =	sshll.u32 s1, $0xD;
	s1 =	sshrl.u32 s1, $0x2  }
0xbb: {  	s3 =	sand.u32 $0x4000, s31;
	s1 =	sadd.s32 s1, s30  }
0xbc: {  	s0 =	sor.u32 s3, s0;
	s1 =	sshll.u32 s1, $0x11  }
0xbd: {  	s0 =	sor.u32 s1, s0  }
0xbe: {  	s0 =	sadd.s32 $0x8F2B, s0  }
0xbf: {  	[sflag:s0] =	ssyncadd.remote.s32 $0x1  }
0xc0: {  	_ =	sfence.sel $0xFFFF  }
0xc1: {  	[dreg:$0x0] =	wrdreg $0xFFFFFFFF;
	(pc) =	sbr.abs _section_cstart, $3  }
0xc2: {  	[dreg:$0x1] =	wrdreg $0xFFFFFFFF  }
0xc3: {  	_ =	task.clear_ibuf [dreg:s8], $0x2FFFF;
	_ =	strace $0x9FFFFFFF  }
0xc4: {  	(tm) =	ssettm $0x7FFFFFFF  }
0xc5: {  	_ =	shalt  }
tec
execute0_lowered:
.L_overlay_start_1:
0x0: {  	(tag) =	ssettag $0x1  }
0x1: {  	s5 =	rddreg [dreg:$0x0]  }
0x2: {  	s2 =	rddreg [dreg:$0x1];
	s1 =	srdreg.scid  }
0x3: {  	s0 =	stileid.u32;
	s7 =	rddreg [dreg:$0x2]  }
0x4: {  	s11 =	simm.s32 $0x0;
	s4 =	sand.u32 $0x1, s1;
	s3 =	sshll.u32 s0, $0x1  }
0x5: {  	s1 =	rddreg [dreg:$0x3];
	s9 =	sor.u32 s4, s3;
	s3 =	simm.s32 $0x0  }
0x6: {  	s4 =	ssub.s32 $0x2, s4;
	s6 =	smul.u32 $0x187, s9;
	[smem:$0x7FF] =	sst s3  }
0x7: {  	s8 =	sshrl.u32 s4, $0x1;
	p0 =	seq.s32 s9, $0x1F;
	s9 =	simm.s32 $0xC80  }
0x8: {  	_ =	strace $0x80000047;
	s8 =	ssub.s32 s4, s8;
	s10 =	sadd.s32 s6, s7  }
0x9: {  	s4 =	sadd.s32 s5, s6;
	s5 =	sadd.s32 $0x2F59, s5;
	s7 =	sadd.s32 $0x3359, s7  }
0xa: {  	s8 =	smax.u32 s8, $0x1;
	s6 =	sadd.s32 $0x400, s10;
	s10 =	simm.s32 $0x1  }
.LBB2_1:
0xb: {  	[tilespmem:s9], [sflag:$0x1] =	stream.linear.gather [hbm4b:s2+s3], $0x4, $0x38;
	[tilespmem:$0x1980] =	vst v63  }
0xc: {  	s12 =	simm.s32 @p0 $0x0  }
0xd: {  	[tilespmem:s12], [sflag:$0x2] =	stream.linear.gather @p0 [hbm4b:s5+s12], $0xBD8, $0x38;
	[tilespmem:$0x1980] =	vst v63  }
0xe: {  	s12 =	simm.s32 @p0 $0x2  }
0xf: {  	_ =	swait.ge @p0 [sflag:s12], $0xBD8  }
0x10: {  	[sflag:s12] =	ssyncset.done @p0 $0x0  }
0x11: {  	[sflag:s12] =	ssyncadd.s32 @p0 $0xFFFFF428;
	s12 =	simm.s32 @!p0 $0x0  }
0x12: {  	[tilespmem:s12], [sflag:$0x2] =	stream.linear.gather @!p0 [hbm4b:s4+s12], $0xC38, $0x38;
	[tilespmem:$0x1980] =	vst v63  }
0x13: {  	s12 =	simm.s32 @!p0 $0x2  }
0x14: {  	_ =	swait.ge @!p0 [sflag:s12], $0xC38  }
0x15: {  	[sflag:s12] =	ssyncset.done @!p0 $0x0  }
0x16: {  	[sflag:s12] =	ssyncadd.s32 @!p0 $0xFFFFF3C8  }
0x17: {  	_ =	swait.ge [sflag:s10], $0x4  }
0x18: {  	[sflag:s10] =	ssyncset.done $0x0  }
0x19: {  	[sflag:s10] =	ssyncadd.s32 $0xFFFFFFFC  }
0x1a: {  	s13 =	simm.s32 $0x0;
	v0 =	vld [tilespmem:$0xC80]  }
0x1b: {  	v2 =	vld [tilespmem:s13+$0x70]  }
0x1c: {  	v6 =	vld [tilespmem:s13+$0x0]  }
0x1d: {  	v7 =	vld [tilespmem:s13+$0x10]  }
0x1e: {  	v5 =	vld [tilespmem:s13+$0x20]  }
0x1f: {  	v4 =	vld [tilespmem:s13+$0x30]  }
0x20: {  	v1 =	vld [tilespmem:s13+$0x40];
	v8 =	vperm.xlane v0, v2  }
0x21: {  	v2 =	vld [tilespmem:s13+$0x50];
	v6 =	vperm.xlane v0, v6  }
0x22: {  	s14 =	simm.s32 $0x400;
	s12 =	simm.s32 $0x80;
	v3 =	vld [tilespmem:s13+$0x60];
	v7 =	vperm.xlane v0, v7;
	[tilespmem:s13+$0xD70] =	vst v8  }
.LBB2_2:
0x23: {  	p1 =	sne.s32 s14, $0x3000;
	v8 =	vld [tilespmem:s12+$0x70];
	[tilespmem:s13+$0xD00] =	vst v6;
	v5 =	vperm.xlane v0, v5  }
0x24: {  	v6 =	vld [tilespmem:s12+$0x0];
	[tilespmem:s13+$0xD10] =	vst v7;
	v4 =	vperm.xlane v0, v4  }
0x25: {  	v7 =	vld [tilespmem:s12+$0x10];
	[tilespmem:s13+$0xD20] =	vst v5;
	v1 =	vperm.xlane v0, v1  }
.Ltmp0:
0x26: {  	v5 =	vld [tilespmem:s12+$0x20];
	[tilespmem:s13+$0xD30] =	vst v4;
	v2 =	vperm.xlane v0, v2;
	(pc) =	sbr.rel @p1 .LBB2_2-.Ltmp0, $4  }
0x27: {  	v4 =	vld [tilespmem:s12+$0x30];
	[tilespmem:s13+$0xD40] =	vst v1;
	v3 =	vperm.xlane v0, v3  }
0x28: {  	v1 =	vld [tilespmem:s12+$0x40];
	v8 =	vperm.xlane v0, v8;
	[tilespmem:s13+$0xD50] =	vst v2  }
0x29: {  	v6 =	vperm.xlane v0, v6;
	v2 =	vld [tilespmem:s12+$0x50];
	[tilespmem:s13+$0xD60] =	vst v3;
	s13 =	smov.u32 s12  }
0x2a: {  	s12 =	sshra.s32 s14, $0x2;
	s14 =	sadd.s32 $0x200, s14;
	v7 =	vperm.xlane v0, v7;
	v3 =	vld [tilespmem:s13+$0x60];
	[tilespmem:s13+$0xD70] =	vst v8  }
0x2b: {  	v8 =	vld [tilespmem:s12+$0x70];
	[tilespmem:s13+$0xD00] =	vst v6;
	v5 =	vperm.xlane v0, v5  }
0x2c: {  	v6 =	vld [tilespmem:s12+$0x0];
	[tilespmem:s13+$0xD10] =	vst v7;
	v4 =	vperm.xlane v0, v4  }
0x2d: {  	v7 =	vld [tilespmem:s12+$0x10];
	[tilespmem:s13+$0xD20] =	vst v5;
	v1 =	vperm.xlane v0, v1  }
0x2e: {  	v5 =	vld [tilespmem:s12+$0x20];
	[tilespmem:s13+$0xD30] =	vst v4;
	v2 =	vperm.xlane v0, v2  }
0x2f: {  	v4 =	vld [tilespmem:s12+$0x30];
	[tilespmem:s13+$0xD40] =	vst v1;
	v3 =	vperm.xlane v0, v3  }
0x30: {  	v1 =	vld [tilespmem:s12+$0x40];
	[tilespmem:s13+$0xD50] =	vst v2;
	v8 =	vperm.xlane v0, v8  }
0x31: {  	v2 =	vld [tilespmem:s12+$0x50];
	[tilespmem:s13+$0xD60] =	vst v3;
	v60 =	vperm.xlane v0, v6  }
0x32: {  	v61 =	vld [tilespmem:s12+$0x60];
	v7 =	vperm.xlane v0, v7;
	[tilespmem:s12+$0xD70] =	vst v8  }
0x33: {  	[tilespmem:s12+$0xD00] =	vst v60;
	v62 =	vperm.xlane v0, v5  }
0x34: {  	[tilespmem:s12+$0xD10] =	vst v7;
	v4 =	vperm.xlane v0, v4  }
0x35: {  	[tilespmem:s12+$0xD20] =	vst v62;
	v1 =	vperm.xlane v0, v1  }
0x36: {  	[tilespmem:s12+$0xD30] =	vst v4;
	v2 =	vperm.xlane v0, v2  }
0x37: {  	[tilespmem:s12+$0xD40] =	vst v1;
	v63 =	vperm.xlane v0, v61  }
0x38: {  	[tilespmem:s12+$0xD50] =	vst v2  }
0x39: {  	s13 =	simm.s32 @p0 $0xD00;
	[tilespmem:s12+$0xD60] =	vst v63;
	s12 =	simm.s32 @p0 $0x0  }
0x3a: {  	[hbm4b:s7+s12] =	stream.linear.scatter @p0 [tilespmem:s13], [sflag:$0x3], $0xBD8, $0x38;
	[tilespmem:$0x1980] =	vst v63  }
0x3b: {  	s12 =	simm.s32 @p0 $0x3  }
0x3c: {  	s11 =	sadd.s32 $0x1, s11;
	_ =	swait.ge @p0 [sflag:s12], $0xBD8  }
0x3d: {  	p1 =	sne.s32 s11, s8;
	[sflag:s12] =	ssyncset.done @p0 $0x0  }
0x3e: {  	s13 =	simm.s32 @!p0 $0xD00;
	[sflag:s12] =	ssyncadd.s32 @p0 $0xFFFFF428;
	s12 =	simm.s32 @!p0 $0x0  }
0x3f: {  	[hbm4b:s6+s12] =	stream.linear.scatter @!p0 [tilespmem:s13], [sflag:$0x3], $0xC38, $0x38;
	[tilespmem:$0x1980] =	vst v63  }
.Ltmp1:
0x40: {  	_ = 	snop;
	(pc) =	sbr.rel @p1 .LBB2_1-.Ltmp1, $4  }
0x41: {  	s12 =	simm.s32 @!p0 $0x3  }
0x42: {  	_ =	swait.ge @!p0 [sflag:s12], $0xC38  }
0x43: {  	[sflag:s12] =	ssyncset.done @!p0 $0x0  }
0x44: {  	[sflag:s12] =	ssyncadd.s32 @!p0 $0xFFFFF3C8  }
0x45: {  	_ =	sfence.sel $0x180000  }
0x46: {  	[bflag:$0x0] =	sbarrier.arrive $0xFFFF  }
0x47: {  	p0 =	sne.s32 s0, $0x0;
	_ =	strace $0x90000047  }
0x48: {  	s0 =	sadd.s32 @!p0 $0x100000, s1;
	[bflag:$0x2] =	sbarrier.arrive $0xFFFF  }
0x49: {  	[sflag:s0] =	ssyncadd.tile.s32 @!p0 $0x1;
	_ =	shalt  }
.Lfunc_end2:
_tile_overlayer_lowered:
.L_overlay_start_2:
0x4a: {  	(tag) =	ssettag $0x2  }
0x4b: {  	s0 =	rddreg [dreg:$0x0];
	s2 =	stileid.u32  }
0x4c: {  	s1 =	rddreg [dreg:$0x1];
	p0 =	sne.s32 s2, $0x0  }
0x4d: {  	s3 =	rddreg [dreg:$0x2];
	[bflag:$0x3] =	sbarrier.arrive $0xFFFF;
	s2 =	simm.s32 @!p0 $0x1C03  }
0x4e: {  	[timem:s3], [sflag:s2] =	dma.local @!p0 [hbm:s0], s1  }
0x4f: {  	s0 =	simm.s32 @!p0 $0x3  }
0x50: {  	_ =	swait.ge @!p0 [sflag:s0], s1  }
0x51: {  	s1 =	ssub.s32 @!p0 $0x0, s1;
	[sflag:s0] =	ssyncset.done @!p0 $0x0  }
0x52: {  	[sflag:s0] =	ssyncadd.s32 @!p0 s1  }
0x53: {  	[bflag:$0x3] =	sbarrier.arrive $0xFFFF  }
0x54: {  	_ =	shalt  }

</sc_bundles>
